<compile_context>
chip_gen: v7x
topology: tpu7x:2x2x1
jax: 0.10.2.dev20260603
libtpu: 0.0.44.dev20260713+nightly
codegen_flags: <defaults>
</compile_context>

<pallas_src>
import functools

import jax
import jax.numpy as jnp
from jax import lax
from jax.experimental import pallas as pl
from jax.experimental.pallas import tpu as pltpu
from jax.experimental.pallas import tpu_sc as plsc

_N_TOK = 32768
_ENT_W = 0.001
_EPS = 0.0001
_A_CLIP = 9.210240366975849
_H_CLIP = 0.0010210290545737

_NC = 1
_NS = 16
_NW = _NC * _NS
_L = 16
_CHUNK = _N_TOK // _NW
_NVEC = _CHUNK // _L


def _entropy_vec(x):
    a = jnp.abs(x)
    z = jnp.exp(-a)
    t1 = 1.0 + z
    t2 = 2.0 + z
    r = 1.0 / (t1 * t2)
    u = z * t1 * r
    w = z * t2 * r
    u2 = u * u
    log1pz = 2.0 * u * (1.0 + u2 * (1.0 / 3.0 + u2 * (1.0 / 5.0)))
    h = log1pz + a * w
    return jnp.where(a > _A_CLIP, _H_CLIP, h)


@functools.partial(
    pl.kernel,
    out_type=jax.ShapeDtypeStruct((_NW, _L), jnp.float32),
    mesh=plsc.VectorSubcoreMesh(core_axis_name="c", subcore_axis_name="s", num_cores=1),
    compiler_params=pltpu.CompilerParams(needs_layout_passes=False),
    scratch_types=[
        pltpu.VMEM((_CHUNK,), jnp.float32),
        pltpu.VMEM((_L,), jnp.float32),
    ],
)
def _entropy_loss_kernel(x_hbm, out_hbm, xv, stage_v):
    cid = lax.axis_index("c")
    sid = lax.axis_index("s")
    wid = cid * _NS + sid

    pltpu.sync_copy(x_hbm.at[pl.ds(wid * _CHUNK, _CHUNK)], xv)

    def body(i, accs):
        a0, a1 = accs
        return (
            a0 + _entropy_vec(xv[pl.ds(i * (2 * _L), _L)]),
            a1 + _entropy_vec(xv[pl.ds(i * (2 * _L) + _L, _L)]),
        )

    zero = jnp.zeros((_L,), jnp.float32)
    a0, a1 = lax.fori_loop(0, _NVEC // 2, body, (zero, zero))
    acc = a0 + a1

    partial = jnp.sum(acc) * (-_ENT_W / _N_TOK)
    stage_v[...] = jnp.full((_L,), partial, jnp.float32)
    pltpu.sync_copy(stage_v, out_hbm.at[wid])


def kernel(logits, targets):
    del targets
    out = _entropy_loss_kernel(logits.reshape(_N_TOK))
    return jnp.sum(out[:, 0])

# --- scband reference (transcript-rebuilt; emitter-appended) ---
"""Pipeline reference for scband-grapemustplanning-loss-40699110097295 (READ-ONLY COPY).

The authoritative reference and input builder live on the scoring server;
editing this copy changes nothing except your own understanding.
"""

import jax, jax.numpy as jnp
import numpy as np

N_SAMPLES = 64
MISS_W = 2.0
SIZE_W = 1.0
ENT_W = 0.001
EPS = 0.0001
N_TOK = 32768

def setup_inputs(seed: int = 0):
    key = jax.random.key(seed)
    k1, k2 = jax.random.split(key)
    logits = jax.random.normal(k1, (N_TOK, 1), dtype=jnp.float32)
    targets = jax.random.randint(k2, (N_TOK, 1), 0, 2, dtype=jnp.int64) if jax.config.jax_enable_x64 else jax.random.randint(k2, (N_TOK, 1), 0, 2, dtype=jnp.int32)
    return {"logits": logits, "targets": targets}

def _per_graph_loss(y, t):
    # y, t: float32[N]
    n_total = float(y.shape[0])
    n_kept = y.sum()
    pos_mask = (t == 1.0)
    n_pos = pos_mask.sum()
    missed_pos = (pos_mask & (y == 0.0)).astype(jnp.float32).sum()
    miss_fraction = jnp.where(n_pos > 0, missed_pos / jnp.maximum(n_pos, 1).astype(jnp.float32), jnp.float32(0.0))
    size_fraction = n_kept / n_total
    return MISS_W * miss_fraction + SIZE_W * size_fraction ** 2

def reference(logits, targets):
    # training-mode MUS sampling path with n_node=None (single flat graph)
    probs = jnp.clip(jax.nn.sigmoid(logits).squeeze(-1), EPS, 1.0 - EPS)
    targets_flat = targets.squeeze(-1).astype(jnp.float32)
    skey = jax.random.key(42)
    total_pg = jnp.float32(0.0)
    total_ent = jnp.float32(0.0)
    total_raw = jnp.float32(0.0)
    log_p = jnp.log(probs)
    log_1mp = jnp.log1p(-probs)
    entropy = -(probs * log_p + (1.0 - probs) * log_1mp)
    for i in range(N_SAMPLES):
        u = jax.random.uniform(jax.random.fold_in(skey, i), probs.shape, dtype=jnp.float32)
        y = (u < probs).astype(jnp.float32)  # Bernoulli sample (non-differentiable, like torch .sample())
        log_probs = y * log_p + (1.0 - y) * log_1mp
        raw_loss = _per_graph_loss(y, targets_flat)
        total_raw = total_raw + raw_loss
        total_pg = total_pg + jax.lax.stop_gradient(raw_loss) * log_probs.sum()
        total_ent = total_ent + entropy.mean()
    avg_raw = total_raw / N_SAMPLES
    avg_pg = total_pg / N_SAMPLES
    avg_ent = total_ent / N_SAMPLES
    # first call: baseline_initialized is False -> running_baseline := avg_raw, so advantage == 0
    baseline = jax.lax.stop_gradient(avg_raw)
    advantage = jax.lax.stop_gradient(avg_raw) - baseline
    loss = advantage * avg_pg - ENT_W * avg_ent
    loss = loss + 0.0 * avg_raw
    return loss

if __name__ == "__main__":
    import jax
    _d = setup_inputs()
    print(jax.jit(kernel)(*tuple(_d.values())))

</pallas_src>

<mosaic_0001>
#map = affine_map<(d0, d1) -> (0)>
#map1 = affine_map<(d0, d1) -> (0, 0)>
module attributes {stable_mosaic.version = 14 : i64} {
  func.func @_entropy_loss_kernel(%arg0: i32, %arg1: i32, %arg2: memref<32768xf32, #tpu.memory_space<hbm>>, %arg3: memref<16x16xf32, #tpu.memory_space<hbm>>, %arg4: memref<2048xf32, #tpu.memory_space<vmem>>, %arg5: memref<16xf32, #tpu.memory_space<vmem>>) attributes {dimension_semantics = [#tpu.dimension_semantics<core_parallel>, #tpu.dimension_semantics<subcore_parallel>], iteration_bounds = array<i64: 1, 16>, scalar_prefetch = 0 : i64, scratch_operands = 2 : i64, tpu.core_type = #tpu.core_type<sc_vector_subcore>, window_params = [{transform_indices = #map}, {transform_indices = #map1}]} {
    %mul3A = arith.constant 16 : i32
    %mul3A_0 = arith.muli %arg0, %mul3A : i32
    %add3A = arith.addi %mul3A_0, %arg1 : i32
    %mul3A_1 = arith.constant 2048 : i32
    %mul3A_2 = arith.muli %add3A, %mul3A_1 : i32
    "tpu.region"() ({
      %run_scoped3A = tpu.sem_alloc : memref<!tpu.dma_semaphore, #tpu.memory_space<semaphore_mem>>
      %dma_start3A = tpu.memref_slice %arg2[%mul3A_2] : memref<32768xf32, #tpu.memory_space<hbm>> -> memref<2048xf32, #tpu.memory_space<hbm>>
      %dma_start3A_17 = tpu.memref_slice %arg2[%mul3A_2] : memref<32768xf32, #tpu.memory_space<hbm>> -> memref<2048xf32, #tpu.memory_space<hbm>>
      tpu.enqueue_dma source(%dma_start3A_17 : memref<2048xf32, #tpu.memory_space<hbm>>) target(%arg4 : memref<2048xf32, #tpu.memory_space<vmem>>) target_semaphore(%run_scoped3A : memref<!tpu.dma_semaphore, #tpu.memory_space<semaphore_mem>>)
      %dma_wait3A = tpu.memref_slice %arg2[%mul3A_2] : memref<32768xf32, #tpu.memory_space<hbm>> -> memref<2048xf32, #tpu.memory_space<hbm>>
      %dma_wait3A_18 = tpu.memref_slice %arg2[%mul3A_2] : memref<32768xf32, #tpu.memory_space<hbm>> -> memref<2048xf32, #tpu.memory_space<hbm>>
      tpu.wait_dma2 semaphore(%run_scoped3A : memref<!tpu.dma_semaphore, #tpu.memory_space<semaphore_mem>>) src(%dma_wait3A_18 : memref<2048xf32, #tpu.memory_space<hbm>>) dst(%arg4 : memref<2048xf32, #tpu.memory_space<vmem>>)
      tpu.yield
    }) : () -> ()
    %broadcast_in_dim3A = arith.constant 0.000000e+00 : f32
    %broadcast_in_dim3A_3 = vector.broadcast %broadcast_in_dim3A : f32 to vector<16xf32>
    %scan3A = arith.constant 0 : i32
    %scan3A_4 = arith.constant 64 : i32
    %scan3A_5 = arith.addi %scan3A, %scan3A_4 : i32
    %scan3A_6 = arith.constant 1 : i32
    %scan3A_7:2 = scf.for %scan3A_17 = %scan3A to %scan3A_5 step %scan3A_6 iter_args(%scan3A_18 = %broadcast_in_dim3A_3, %scan3A_19 = %broadcast_in_dim3A_3) -> (vector<16xf32>, vector<16xf32>)  : i32 {
      %mul3A_20 = arith.constant 32 : i32
      %mul3A_21 = arith.muli %scan3A_17, %mul3A_20 : i32
      %get3A = arith.index_cast %mul3A_21 : i32 to index
      %get3A_22 = tpu.vector_load %arg4[%get3A] {strides = array<i32>} : memref<2048xf32, #tpu.memory_space<vmem>>, vector<16xf32>,
      %abs3A = math.absf %get3A_22 : vector<16xf32>
      %neg3A = arith.constant 0.000000e+00 : f32
      %neg3A_23 = vector.broadcast %neg3A : f32 to vector<16xf32>
      %neg3A_24 = arith.subf %neg3A_23, %abs3A : vector<16xf32>
      %exp3A = math.exp %neg3A_24 : vector<16xf32>
      %add3A_25 = arith.constant 1.000000e+00 : f32
      %add3A_26 = vector.broadcast %add3A_25 : f32 to vector<16xf32>
      %add3A_27 = arith.addf %add3A_26, %exp3A : vector<16xf32>
      %add3A_28 = arith.constant 2.000000e+00 : f32
      %add3A_29 = vector.broadcast %add3A_28 : f32 to vector<16xf32>
      %add3A_30 = arith.addf %add3A_29, %exp3A : vector<16xf32>
      %mul3A_31 = arith.mulf %add3A_27, %add3A_30 : vector<16xf32>
      %div3A = arith.constant 1.000000e+00 : f32
      %div3A_32 = vector.broadcast %div3A : f32 to vector<16xf32>
      %div3A_33 = arith.divf %div3A_32, %mul3A_31 : vector<16xf32>
      %mul3A_34 = arith.mulf %exp3A, %add3A_27 : vector<16xf32>
      %mul3A_35 = arith.mulf %mul3A_34, %div3A_33 : vector<16xf32>
      %mul3A_36 = arith.mulf %exp3A, %add3A_30 : vector<16xf32>
      %mul3A_37 = arith.mulf %mul3A_36, %div3A_33 : vector<16xf32>
      %mul3A_38 = arith.mulf %mul3A_35, %mul3A_35 : vector<16xf32>
      %mul3A_39 = arith.constant 2.000000e+00 : f32
      %mul3A_40 = vector.broadcast %mul3A_39 : f32 to vector<16xf32>
      %mul3A_41 = arith.mulf %mul3A_40, %mul3A_35 : vector<16xf32>
      %mul3A_42 = arith.constant 2.000000e-01 : f32
      %mul3A_43 = vector.broadcast %mul3A_42 : f32 to vector<16xf32>
      %mul3A_44 = arith.mulf %mul3A_38, %mul3A_43 : vector<16xf32>
      %add3A_45 = arith.constant 0.333333343 : f32
      %add3A_46 = vector.broadcast %add3A_45 : f32 to vector<16xf32>
      %add3A_47 = arith.addf %add3A_46, %mul3A_44 : vector<16xf32>
      %mul3A_48 = arith.mulf %mul3A_38, %add3A_47 : vector<16xf32>
      %add3A_49 = arith.constant 1.000000e+00 : f32
      %add3A_50 = vector.broadcast %add3A_49 : f32 to vector<16xf32>
      %add3A_51 = arith.addf %add3A_50, %mul3A_48 : vector<16xf32>
      %mul3A_52 = arith.mulf %mul3A_41, %add3A_51 : vector<16xf32>
      %mul3A_53 = arith.mulf %abs3A, %mul3A_37 : vector<16xf32>
      %add3A_54 = arith.addf %mul3A_52, %mul3A_53 : vector<16xf32>
      %gt3A = arith.constant 9.210240e+00 : f32
      %gt3A_55 = vector.broadcast %gt3A : f32 to vector<16xf32>
      %gt3A_56 = arith.cmpf ogt, %abs3A, %gt3A_55 : vector<16xf32>
      %jit3A = arith.constant 0.00102102908 : f32
      %broadcast_in_dim3A_57 = vector.broadcast %jit3A : f32 to vector<16xf32>
      %select_n3A = arith.select %gt3A_56, %broadcast_in_dim3A_57, %add3A_54 : vector<16xi1>, vector<16xf32>
      %add3A_58 = arith.addf %scan3A_18, %select_n3A : vector<16xf32>
      %mul3A_59 = arith.constant 32 : i32
      %mul3A_60 = arith.muli %scan3A_17, %mul3A_59 : i32
      %add3A_61 = arith.constant 16 : i32
      %add3A_62 = arith.addi %mul3A_60, %add3A_61 : i32
      %get3A_63 = arith.index_cast %add3A_62 : i32 to index
      %get3A_64 = tpu.vector_load %arg4[%get3A_63] {strides = array<i32>} : memref<2048xf32, #tpu.memory_space<vmem>>, vector<16xf32>,
      %abs3A_65 = math.absf %get3A_64 : vector<16xf32>
      %neg3A_66 = arith.constant 0.000000e+00 : f32
      %neg3A_67 = vector.broadcast %neg3A_66 : f32 to vector<16xf32>
      %neg3A_68 = arith.subf %neg3A_67, %abs3A_65 : vector<16xf32>
      %exp3A_69 = math.exp %neg3A_68 : vector<16xf32>
      %add3A_70 = arith.constant 1.000000e+00 : f32
      %add3A_71 = vector.broadcast %add3A_70 : f32 to vector<16xf32>
      %add3A_72 = arith.addf %add3A_71, %exp3A_69 : vector<16xf32>
      %add3A_73 = arith.constant 2.000000e+00 : f32
      %add3A_74 = vector.broadcast %add3A_73 : f32 to vector<16xf32>
      %add3A_75 = arith.addf %add3A_74, %exp3A_69 : vector<16xf32>
      %mul3A_76 = arith.mulf %add3A_72, %add3A_75 : vector<16xf32>
      %div3A_77 = arith.constant 1.000000e+00 : f32
      %div3A_78 = vector.broadcast %div3A_77 : f32 to vector<16xf32>
      %div3A_79 = arith.divf %div3A_78, %mul3A_76 : vector<16xf32>
      %mul3A_80 = arith.mulf %exp3A_69, %add3A_72 : vector<16xf32>
      %mul3A_81 = arith.mulf %mul3A_80, %div3A_79 : vector<16xf32>
      %mul3A_82 = arith.mulf %exp3A_69, %add3A_75 : vector<16xf32>
      %mul3A_83 = arith.mulf %mul3A_82, %div3A_79 : vector<16xf32>
      %mul3A_84 = arith.mulf %mul3A_81, %mul3A_81 : vector<16xf32>
      %mul3A_85 = arith.constant 2.000000e+00 : f32
      %mul3A_86 = vector.broadcast %mul3A_85 : f32 to vector<16xf32>
      %mul3A_87 = arith.mulf %mul3A_86, %mul3A_81 : vector<16xf32>
      %mul3A_88 = arith.constant 2.000000e-01 : f32
      %mul3A_89 = vector.broadcast %mul3A_88 : f32 to vector<16xf32>
      %mul3A_90 = arith.mulf %mul3A_84, %mul3A_89 : vector<16xf32>
      %add3A_91 = arith.constant 0.333333343 : f32
      %add3A_92 = vector.broadcast %add3A_91 : f32 to vector<16xf32>
      %add3A_93 = arith.addf %add3A_92, %mul3A_90 : vector<16xf32>
      %mul3A_94 = arith.mulf %mul3A_84, %add3A_93 : vector<16xf32>
      %add3A_95 = arith.constant 1.000000e+00 : f32
      %add3A_96 = vector.broadcast %add3A_95 : f32 to vector<16xf32>
      %add3A_97 = arith.addf %add3A_96, %mul3A_94 : vector<16xf32>
      %mul3A_98 = arith.mulf %mul3A_87, %add3A_97 : vector<16xf32>
      %mul3A_99 = arith.mulf %abs3A_65, %mul3A_83 : vector<16xf32>
      %add3A_100 = arith.addf %mul3A_98, %mul3A_99 : vector<16xf32>
      %gt3A_101 = arith.constant 9.210240e+00 : f32
      %gt3A_102 = vector.broadcast %gt3A_101 : f32 to vector<16xf32>
      %gt3A_103 = arith.cmpf ogt, %abs3A_65, %gt3A_102 : vector<16xf32>
      %jit3A_104 = arith.constant 0.00102102908 : f32
      %broadcast_in_dim3A_105 = vector.broadcast %jit3A_104 : f32 to vector<16xf32>
      %select_n3A_106 = arith.select %gt3A_103, %broadcast_in_dim3A_105, %add3A_100 : vector<16xi1>, vector<16xf32>
      %add3A_107 = arith.addf %scan3A_19, %select_n3A_106 : vector<16xf32>
      scf.yield %add3A_58, %add3A_107 : vector<16xf32>, vector<16xf32>
    }
    %scan3A_8 = arith.constant 64 : i32
    %add3A_9 = arith.addf %scan3A_7#0, %scan3A_7#1 : vector<16xf32>
    %reduce_sum3A = arith.constant true
    %reduce_sum3A_10 = vector.broadcast %reduce_sum3A : i1 to vector<16xi1>
    %reduce_sum3A_11 = tpu.scan <sum>, %add3A_9 masked %reduce_sum3A_10 : vector<16xf32>, vector<16xi1> -> vector<16xf32>
    %reduce_sum3A_12 = vector.extract %reduce_sum3A_11[15] : f32 from vector<16xf32>
    %mul3A_13 = arith.constant -3.05175796E-8 : f32
    %mul3A_14 = arith.mulf %reduce_sum3A_12, %mul3A_13 : f32
    %broadcast_in_dim3A_15 = vector.broadcast %mul3A_14 : f32 to vector<16xf32>
    %swap3A = arith.constant 0 : index
    %swap3A_16 = tpu.vector_load %arg5[%swap3A] {strides = array<i32>} : memref<16xf32, #tpu.memory_space<vmem>>, vector<16xf32>,
    tpu.vector_store %arg5[%swap3A], %broadcast_in_dim3A_15 {strides = array<i32>} : memref<16xf32, #tpu.memory_space<vmem>>, vector<16xf32>,
    "tpu.region"() ({
      %run_scoped3A = tpu.sem_alloc : memref<!tpu.dma_semaphore, #tpu.memory_space<semaphore_mem>>
      %dma_start3A = arith.constant 0 : i32
      %dma_start3A_17 = tpu.memref_slice %arg3[%add3A, %dma_start3A] : memref<16x16xf32, #tpu.memory_space<hbm>> -> memref<1x16xf32, #tpu.memory_space<hbm>>
      %dma_start3A_18 = tpu.memref_squeeze %dma_start3A_17 : memref<1x16xf32, #tpu.memory_space<hbm>> -> memref<16xf32, #tpu.memory_space<hbm>>
      %dma_start3A_19 = arith.constant 0 : i32
      %dma_start3A_20 = tpu.memref_slice %arg3[%add3A, %dma_start3A_19] : memref<16x16xf32, #tpu.memory_space<hbm>> -> memref<1x16xf32, #tpu.memory_space<hbm>>
      %dma_start3A_21 = tpu.memref_squeeze %dma_start3A_20 : memref<1x16xf32, #tpu.memory_space<hbm>> -> memref<16xf32, #tpu.memory_space<hbm>>
      tpu.enqueue_dma source(%arg5 : memref<16xf32, #tpu.memory_space<vmem>>) target(%dma_start3A_21 : memref<16xf32, #tpu.memory_space<hbm>>) target_semaphore(%run_scoped3A : memref<!tpu.dma_semaphore, #tpu.memory_space<semaphore_mem>>)
      %dma_wait3A = arith.constant 0 : i32
      %dma_wait3A_22 = tpu.memref_slice %arg3[%add3A, %dma_wait3A] : memref<16x16xf32, #tpu.memory_space<hbm>> -> memref<1x16xf32, #tpu.memory_space<hbm>>
      %dma_wait3A_23 = tpu.memref_squeeze %dma_wait3A_22 : memref<1x16xf32, #tpu.memory_space<hbm>> -> memref<16xf32, #tpu.memory_space<hbm>>
      %dma_wait3A_24 = arith.constant 0 : i32
      %dma_wait3A_25 = tpu.memref_slice %arg3[%add3A, %dma_wait3A_24] : memref<16x16xf32, #tpu.memory_space<hbm>> -> memref<1x16xf32, #tpu.memory_space<hbm>>
      %dma_wait3A_26 = tpu.memref_squeeze %dma_wait3A_25 : memref<1x16xf32, #tpu.memory_space<hbm>> -> memref<16xf32, #tpu.memory_space<hbm>>
      tpu.wait_dma2 semaphore(%run_scoped3A : memref<!tpu.dma_semaphore, #tpu.memory_space<semaphore_mem>>) src(%arg5 : memref<16xf32, #tpu.memory_space<vmem>>) dst(%dma_wait3A_26 : memref<16xf32, #tpu.memory_space<hbm>>)
      tpu.yield
    }) : () -> ()
    return
  }
}

</mosaic_0001>

<sc_bundles>
// kernel: kernel.3.cloned.1.call-start
scs
__scs_entry_jumppad:
0x0: {  	(pc) =	sbr.rel $0x88, $3  }
0x1: {  	(tag) =	ssettag $0x0;
	lr =	simm.s32 $0x1  }
0x2: {  	[smem:$0x3FA0] =	sst lr;
	_ =	strace $0xD0000000  }
0x3: {  	_ = 	snop  }
0x4: {  	_ = 	snop  }
0x5: {  	_ = 	snop  }
0x6: {  	_ = 	snop  }
0x7: {  	_ = 	snop  }
__scs_overlays_trampoline_lowered:
0x8: {  	[smem:$0x3FAF] =	sst s0  }
0x9: {  	[smem:$0x3FB0] =	sst s1  }
0xa: {  	[smem:$0x3FB1] =	sst s2  }
0xb: {  	[smem:$0x3FB2] =	sst s3  }
0xc: {  	[smem:$0x3FB3] =	sst s4  }
0xd: {  	[smem:$0x3FB4] =	sst s5  }
0xe: {  	[smem:$0x3FB5] =	sst s6  }
0xf: {  	[smem:$0x3FB6] =	sst s7  }
0x10: {  	[smem:$0x3FB7] =	sst s8  }
0x11: {  	[smem:$0x3FB8] =	sst s9;
	s0 =	simm.s32 @!p0 $0x0  }
0x12: {  	s1 =	sld [smem:$0x3F9E];
	s0 =	simm.s32 @p0 $0x1  }
0x13: {  	[smem:$0x3FB9] =	sst s0;
	s0 =	simm.s32 @!p1 $0x0  }
0x14: {  	s2 =	sld [smem:$0x3F9D];
	s0 =	simm.s32 @p1 $0x1  }
0x15: {  	[smem:$0x3FBA] =	sst s0;
	s0 =	simm.s32 @!p2 $0x0  }
0x16: {  	s3 =	sld [smem:$0x3FDB];
	s0 =	simm.s32 @p2 $0x1  }
0x17: {  	s4 =	simm.s32 $0x1BF5;
	[smem:$0x3FBC] =	sst s0  }
0x18: {  	s0 =	sld [smem:$0x3F9F];
	_ =	swait.ge [sflag:s4], $0x0  }
0x19: {  	s7 =	sld [smem:$0x3FA0]  }
0x1a: {  	s8 =	sadd.s32 $0xFFFFE003, lr  }
0x1b: {  	s9 =	sadd.s32 $0xFFFFFEF7, lr;
	s5 =	simm.s32 $0xFFFFFFFF;
	p2 =	slt.u32 s8, $0xFFFFF086  }
0x1c: {  	p1 =	slt.u32 s9, $0xF7A;
	s5 =	simm.s32 @!p2 $0x0  }
0x1d: {  	s5 =	simm.s32 @p1 $0x1;
	p0 =	seq.s32 s7, s2  }
0x1e: {  	s7 =	smul.u32 @!p0 $0xF7A, s2;
	p2 =	seq.s32 @!p0 s5, $0x0  }
0x1f: {  	s9 =	smul.u32 $0xF7A, s1;
	s8 =	simm.s32 @!p0 $0x1BF5;
	p2 =	por !p2, p0  }
0x20: {  	[sflag:s8] =	ssyncset.s32 @!p0 $0xFFFFF086;
	s6 =	sadd.s32 @!p0 s3, s7;
	s7 =	simm.s32 @!p0 $0x108  }
0x21: {  	s3 =	sadd.s32 s3, s9;
	s6 =	sadd.s32 @!p0 $0x88, s6;
	s7 =	simm.s32 @p2 $0x1082  }
0x22: {  	[simem:s7], [sflag:s8] =	dma.local @!p0 [hbm:s6], $0xF7A  }
0x23: {  	s9 =	sor.u32 $0xD0000000, s2;
	s6 =	simm.s32 $0x108;
	_ =	swait.ge @!p0 [sflag:s8], $0x0  }
0x24: {  	s3 =	sadd.s32 $0x88, s3;
	s6 =	simm.s32 @!p1 $0x1082;
	[sflag:s4] =	ssyncset.s32 $0xFFFFF086  }
0x25: {  	[simem:s6], [sflag:s4] =	dma.local [hbm:s3], $0xF7A  }
0x26: {  	[smem:$0x3FA0] =	sst s1;
	(tag) =	ssettag s2;
	_ =	strace s9  }
0x27: {  	s1 =	sld [smem:$0x3FB0]  }
0x28: {  	s2 =	sld [smem:$0x3FB1]  }
0x29: {  	s4 =	sld [smem:$0x3FB3]  }
0x2a: {  	p0 =	seq.s32 s5, $0x0;
	s5 =	sld [smem:$0x3FB4]  }
0x2b: {  	s6 =	sld [smem:$0x3FB5]  }
0x2c: {  	s7 =	sld [smem:$0x3FB6]  }
0x2d: {  	s3 =	simm.s32 $0x108;
	s8 =	sld [smem:$0x3FB7]  }
0x2e: {  	s3 =	simm.s32 @!p0 $0x1082;
	s9 =	sld [smem:$0x3FB8]  }
0x2f: {  	lr =	sadd.s32 s0, s3;
	s0 =	sld [smem:$0x3FAF]  }
0x30: {  	s3 =	sld [smem:$0x3FB2]  }
0x31: {  	[smem:$0x3FBB] =	sst s10  }
0x32: {  	s10 =	sld [smem:$0x3FB9];
	_ =	sdelay $0x3  }
0x33: {  	p0 =	seq.s32 s10, $0x1;
	s10 =	sld [smem:$0x3FBB];
	_ =	sdelay $0x3  }
0x34: {  	[smem:$0x3FBB] =	sst s10  }
0x35: {  	s10 =	sld [smem:$0x3FBA];
	_ =	sdelay $0x3  }
0x36: {  	p1 =	seq.s32 s10, $0x1;
	s10 =	sld [smem:$0x3FBB];
	_ =	sdelay $0x3  }
0x37: {  	[smem:$0x3FBB] =	sst s10  }
0x38: {  	s10 =	sld [smem:$0x3FBC]  }
0x39: {  	_ = 	snop;
	(pc) =	sbr.ind lr, $3  }
0x3a: {  	_ = 	snop  }
0x3b: {  	_ = 	snop  }
0x3c: {  	p2 =	seq.s32 s10, $0x1;
	s10 =	sld [smem:$0x3FBB]  }
0x3d: {  	_ =	shalt  }
0x3e: {  	_ =	shalt  }
0x3f: {  	_ =	shalt  }
0x40: {  	_ =	shalt  }
0x41: {  	_ =	shalt  }
0x42: {  	_ =	shalt  }
0x43: {  	_ =	shalt  }
0x44: {  	_ =	shalt  }
0x45: {  	_ =	shalt  }
0x46: {  	_ =	shalt  }
0x47: {  	_ =	shalt  }
0x48: {  	_ =	shalt  }
0x49: {  	_ =	shalt  }
0x4a: {  	_ =	shalt  }
0x4b: {  	_ =	shalt  }
0x4c: {  	_ =	shalt  }
0x4d: {  	_ =	shalt  }
0x4e: {  	_ =	shalt  }
0x4f: {  	_ =	shalt  }
0x50: {  	_ =	shalt  }
0x51: {  	_ =	shalt  }
0x52: {  	_ =	shalt  }
0x53: {  	_ =	shalt  }
0x54: {  	_ =	shalt  }
0x55: {  	_ =	shalt  }
0x56: {  	_ =	shalt  }
0x57: {  	_ =	shalt  }
0x58: {  	_ =	shalt  }
0x59: {  	_ =	shalt  }
0x5a: {  	_ =	shalt  }
0x5b: {  	_ =	shalt  }
0x5c: {  	_ =	shalt  }
0x5d: {  	_ =	shalt  }
0x5e: {  	_ =	shalt  }
0x5f: {  	_ =	shalt  }
0x60: {  	_ =	shalt  }
0x61: {  	_ =	shalt  }
0x62: {  	_ =	shalt  }
0x63: {  	_ =	shalt  }
0x64: {  	_ =	shalt  }
0x65: {  	_ =	shalt  }
0x66: {  	_ =	shalt  }
0x67: {  	_ =	shalt  }
0x68: {  	_ =	shalt  }
0x69: {  	_ =	shalt  }
0x6a: {  	_ =	shalt  }
0x6b: {  	_ =	shalt  }
0x6c: {  	_ =	shalt  }
0x6d: {  	_ =	shalt  }
0x6e: {  	_ =	shalt  }
0x6f: {  	_ =	shalt  }
0x70: {  	_ =	shalt  }
0x71: {  	_ =	shalt  }
0x72: {  	_ =	shalt  }
0x73: {  	_ =	shalt  }
0x74: {  	_ =	shalt  }
0x75: {  	_ =	shalt  }
0x76: {  	_ =	shalt  }
0x77: {  	_ =	shalt  }
0x78: {  	_ =	shalt  }
0x79: {  	_ =	shalt  }
0x7a: {  	_ =	shalt  }
0x7b: {  	_ =	shalt  }
0x7c: {  	_ =	shalt  }
0x7d: {  	_ =	shalt  }
0x7e: {  	_ =	shalt  }
0x7f: {  	_ =	shalt  }
0x80: {  	_ =	shalt  }
0x81: {  	_ =	shalt  }
0x82: {  	_ =	shalt  }
0x83: {  	_ =	shalt  }
0x84: {  	_ =	shalt  }
0x85: {  	_ =	shalt  }
0x86: {  	_ =	shalt  }
0x87: {  	_ =	shalt  }
.Lfunc_end0:
.L_simem_size_0:
called_computation_lowered:
.L_overlay_start_0:
0x88: {  	s0 =	sld [smem:$0x3FD9]  }
0x89: {  	s1 =	sld [smem:$0x3FFE];
	_ =	sdelay $0x3  }
0x8a: {  	s0 =	sadd.s32 s1, s0  }
0x8b: {  	[smem:$0x3FC7] =	sst s0  }
0x8c: {  	_ = 	snop  }
0x8d: {  	s0 =	sld [smem:$0x3FC9];
	(tm) =	ssettm $0x1  }
0x8e: {  	s16 =	sld [smem:$0x3FFB];
	_ =	sdelay $0x3  }
0x8f: {  	_ =	strace s16  }
0x90: {  	s1 =	sld [smem:$0x3FFC];
	_ =	sdelay $0x3  }
0x91: {  	_ =	strace s1  }
0x92: {  	s1 =	sld [smem:$0x3FFD];
	_ =	sdelay $0x3  }
0x93: {  	_ =	strace s1  }
0x94: {  	_ =	strace $0x8FFFFFFF  }
0x95: {  	s17 =	sld [smem:$0x3FDB];
	_ =	sdelay $0x1  }
0x96: {  	s2 =	simm.s32 $_scs_section_size  }
0x97: {  	s3 =	simm.s32 $_size__tile_overlayer_lowered;
	s4 =	simm.s32 $_tile_overlayer_lowered  }
0x98: {  	s20 =	simm.s32 $0x1BFF;
	s19 =	sshll.u32 s4, $0x1;
	s1 =	sadd.s32 s2, s17  }
0x99: {  	s5 =	simm.s32 $0x0;
	s18 =	sshll.u32 s3, $0x1;
	s3 =	sadd.s32 s19, s1  }
0x9a: {  	[timem:s5], [sflag:s20] =	dma.local [hbm:s3], s18  }
0x9b: {  	_ =	swait.ge [sflag:s20], s18  }
0x9c: {  	s2 =	ssub.s32 $0x0, s18;
	[sflag:s20] =	ssyncset.done $0x0  }
0x9d: {  	[sflag:s20] =	ssyncadd.s32 s2;
	_ =	sdelay $0x1  }
0x9e: {  	s21 =	simm.s32 $0x1B8B  }
0x9f: {  	_ =	swait.ge [sflag:s21], $0x1  }
0xa0: {  	[sflag:s21] =	ssyncset.done $0x0  }
0xa1: {  	s23 =	simm.s32 $0x1B8E;
	s22 =	sld [smem:$0x3FFE];
	[sflag:s21] =	ssyncadd.s32 $0xFFFFFFFF  }
0xa2: {  	s24 =	simm.s32 $execute0_lowered;
	[smem:$0x3FD2] =	sst s23  }
0xa3: {  	s3 =	sshll.u32 s24, $0x1;
	_ =	strace $0x80000046;
	[dreg:$0x1] =	wrdreg $0xFFFFFFFF  }
0xa4: {  	s25 =	simm.s32 $_size_execute0_lowered;
	s1 =	sadd.s32 s1, s3;
	[dreg:$0x0] =	wrdreg $0x0  }
0xa5: {  	s3 =	sshll.u32 s25, $0x1;
	[dreg:$0x2] =	wrdreg s1  }
0xa6: {  	[dreg:$0x3] =	wrdreg s3  }
0xa7: {  	[dreg:$0x4] =	wrdreg $0xC0  }
0xa8: {  	_ =	task [dreg:s5], $0x5FFFF  }
0xa9: {  	[dreg:$0x1] =	wrdreg $0xFFFFFFFF  }
0xaa: {  	[dreg:$0x0] =	wrdreg $0x60  }
0xab: {  	[dreg:$0x2] =	wrdreg s0  }
0xac: {  	[dreg:$0x3] =	wrdreg s22  }
0xad: {  	[dreg:$0x4] =	wrdreg $0x9  }
0xae: {  	_ =	task.clear_ibuf [dreg:s5], $0x5FFFF;
	_ =	strace $0x90000046  }
0xaf: {  	s26 =	simm.s32 $0x9;
	_ =	strace $0x80000048  }
0xb0: {  	_ =	swait.ge [sflag:s26], $0x1  }
0xb1: {  	[sflag:s26] =	ssyncadd.s32 $0xFFFFFFFF  }
0xb2: {  	_ =	strace $0x90000048  }
0xb3: {  	_ =	sfence  }
0xb4: {  	s28 =	sld [smem:$0x0];
	_ =	sdelay $0x1  }
0xb5: {  	s29 =	srdreg.scid  }
0xb6: {  	s30 =	sshll.u32 s29, $0xD;
	s31 =	sshrl.u32 s29, $0x2  }
0xb7: {  	s2 =	sand.u32 $0x4000, s30;
	s1 =	sand.u32 $0x1, s29;
	s0 =	sadd.s32 s31, s28  }
0xb8: {  	s1 =	sor.u32 s2, s1;
	s0 =	sshll.u32 s0, $0x11  }
0xb9: {  	s0 =	sor.u32 s0, s1  }
0xba: {  	s0 =	sadd.s32 $0x8F2B, s0  }
0xbb: {  	[sflag:s0] =	ssyncadd.remote.s32 $0x1  }
0xbc: {  	_ =	sfence.sel $0xFFFF  }
0xbd: {  	[dreg:$0x0] =	wrdreg $0xFFFFFFFF;
	(pc) =	sbr.abs _section_cstart, $3  }
0xbe: {  	[dreg:$0x1] =	wrdreg $0xFFFFFFFF  }
0xbf: {  	_ =	task.clear_ibuf [dreg:s5], $0x2FFFF;
	_ =	strace $0x9FFFFFFF  }
0xc0: {  	(tm) =	ssettm $0x7FFFFFFF  }
0xc1: {  	_ =	shalt  }
tec
execute0_lowered:
.L_overlay_start_1:
0x0: {  	(tag) =	ssettag $0x1  }
0x1: {  	s3 =	rddreg [dreg:$0x0]  }
0x2: {  	s2 =	rddreg [dreg:$0x1]  }
0x3: {  	s0 =	rddreg [dreg:$0x2];
	s4 =	simm.s32 $0x0;
	s1 =	stileid.u32  }
0x4: {  	[smem:$0x7FF] =	sst s4;
	s5 =	sshll.u32 s1, $0x8  }
0x5: {  	s26 =	simm.s32 $0x1;
	_ =	strace $0x80000047;
	s3 =	sadd.s32 s3, s5  }
0x6: {  	[tilespmem:s4], [sflag:$0x1] =	stream.linear.gather [hbm4b:s3+s4], $0x800, $0x38;
	[tilespmem:$0x880] =	vst v63  }
0x7: {  	_ =	swait.ge [sflag:s26], $0x800  }
0x8: {  	[sflag:s26] =	ssyncset.done $0x0  }
0x9: {  	s28 =	simm.s32 $0x0;
	[sflag:s26] =	ssyncadd.s32 $0xFFFFF800  }
0xa: {  	v0 =	vld [tilespmem:s28+$0x0]  }
0xb: {  	v1 =	vld [tilespmem:s28+$0x10];
	_ =	sdelay $0x3  }
0xc: {  	v15 =	vand.u32 $0x7FFFFFFF, v0  }
0xd: {  	v6 =	vand.u32 $0x7FFFFFFF, v1;
	v0 =	vsub.f32 $0.0e+00, v15  }
0xe: {  	v1 =	vsub.f32 $0.0e+00, v6  }
0xf: {  	s29 =	simm.s32 $0x20;
	v0 =	vmul.f32 $1.442695020e+00, v0  }
0x10: {  	v2 =	vld [tilespmem:s29+$0x0];
	v1 =	vmul.f32 $1.442695020e+00, v1  }
0x11: {  	(erf) = vpow2.f32 v0;
	v0 =	vld [tilespmem:s29+$0x10]  }
0x12: {  	(erf) = vpow2.f32 v1;
	_ =	sdelay $0x2  }
0x13: {  	v5 =	vand.u32 $0x7FFFFFFF, v2  }
0x14: {  	v1 =	vsub.f32 $0.0e+00, v5;
	v2 =	vand.u32 $0x7FFFFFFF, v0  }
0x15: {  	v0 =	vsub.f32 $0.0e+00, v2  }
0x16: {  	v1 =	vmul.f32 $1.442695020e+00, v1  }
0x17: {  	v0 =	vmul.f32 $1.442695020e+00, v0  }
0x18: {  	s30 =	simm.s32 $0x40;
	v3 =	vpop (erf);
	(erf) = vpow2.f32 v1  }
0x19: {  	v7 =	vpop (erf);
	(erf) = vpow2.f32 v0;
	v0 =	vld [tilespmem:s30+$0x0]  }
0x1a: {  	v1 =	vld [tilespmem:s30+$0x10];
	v4 =	vadd.f32 $1.000000000e+00, v3;
	v8 =	vadd.f32 $2.000000000e+00, v3  }
0x1b: {  	v9 =	vadd.f32 $1.000000000e+00, v7;
	v10 =	vadd.f32 $2.000000000e+00, v7  }
0x1c: {  	v11 =	vmul.f32 v8, v4  }
0x1d: {  	v12 =	vmul.f32 v10, v9  }
0x1e: {  	(erf) = vrcp.f32 v11;
	v0 =	vand.u32 $0x7FFFFFFF, v0  }
0x1f: {  	v1 =	vand.u32 $0x7FFFFFFF, v1;
	(erf) = vrcp.f32 v12;
	v11 =	vsub.f32 $0.0e+00, v0  }
0x20: {  	v9 =	vmul.f32 v9, v7;
	v12 =	vsub.f32 $0.0e+00, v1  }
0x21: {  	v10 =	vmul.f32 v10, v7;
	v7 =	vmul.f32 $1.442695020e+00, v11  }
0x22: {  	v4 =	vmul.f32 v4, v3;
	v12 =	vmul.f32 $1.442695020e+00, v12;
	v14 =	vpop (erf)  }
0x23: {  	v11 =	vadd.f32 $1.000000000e+00, v14;
	v13 =	vpop (erf);
	v16 =	vadd.f32 $2.000000000e+00, v14;
	(erf) = vpow2.f32 v7  }
0x24: {  	v17 =	vadd.f32 $1.000000000e+00, v13;
	v18 =	vadd.f32 $2.000000000e+00, v13;
	(erf) = vpow2.f32 v12  }
0x25: {  	v3 =	vmul.f32 v8, v3;
	v7 =	vmul.f32 v16, v11  }
0x26: {  	v11 =	vmul.f32 v11, v14;
	v12 =	vmul.f32 v18, v17  }
0x27: {  	s31 =	simm.s32 $0x60;
	v24 =	vmul.f32 v17, v13;
	v8 =	vpop (erf);
	(erf) = vrcp.f32 v7  }
0x28: {  	v19 =	vpop (erf);
	v23 =	vmul.f32 v8, v4;
	(erf) = vrcp.f32 v12;
	v4 =	vld [tilespmem:s31+$0x0]  }
0x29: {  	v13 =	vmul.f32 v18, v13;
	v12 =	vmul.f32 v19, v9;
	v9 =	vld [tilespmem:s31+$0x10]  }
0x2a: {  	v18 =	vmul.f32 v16, v14;
	v3 =	vmul.f32 v8, v3  }
0x2b: {  	v8 =	vmul.f32 v19, v10;
	v25 =	vmul.f32 v23, v23  }
0x2c: {  	vm0 =	vgt.f32 v15, $9.210240360e+00;
	v7 =	vmul.f32 v3, v15;
	v26 =	vmul.f32 v12, v12;
	v14 =	vpop (erf)  }
0x2d: {  	v16 =	vmul.f32 v8, v6;
	v27 =	vmul.f32 $2.000000030e-01, v25;
	v3 =	vand.u32 $0x7FFFFFFF, v4;
	v28 =	vpop (erf)  }
0x2e: {  	v10 =	vsub.f32 $0.0e+00, v3;
	v4 =	vand.u32 $0x7FFFFFFF, v9;
	v9 =	vadd.f32 $1.000000000e+00, v28  }
0x2f: {  	v29 =	vmul.f32 $2.000000030e-01, v26;
	v19 =	vsub.f32 $0.0e+00, v4;
	v31 =	vadd.f32 $2.000000000e+00, v28  }
0x30: {  	v20 =	vadd.f32 $1.000000000e+00, v14;
	v22 =	vpop (erf);
	v10 =	vmul.f32 $1.442695020e+00, v10;
	v8 =	vmul.f32 v9, v28  }
0x31: {  	v21 =	vadd.f32 $2.000000000e+00, v14;
	v17 =	vpop (erf);
	v30 =	vmul.f32 $1.442695020e+00, v19;
	v62 =	vmul.f32 v31, v9  }
0x32: {  	v23 =	vadd.f32 v23, v23;
	v19 =	vmul.f32 v17, v24;
	(erf) = vpow2.f32 v10  }
0x33: {  	v27 =	vadd.f32 $3.333333430e-01, v27;
	v24 =	vmul.f32 v21, v20;
	(erf) = vpow2.f32 v30  }
0x34: {  	v63 =	vadd.f32 $3.333333430e-01, v29;
	v9 =	vmul.f32 v31, v28;
	v11 =	vmul.f32 v22, v11  }
0x35: {  	v15 =	vimm.f32 $0.0e+00;
	(erf) = vrcp.f32 v24;
	v24 =	vmul.f32 v27, v25  }
0x36: {  	s3 =	simm.s32 $0x200;
	v10 =	vimm.f32 $0.0e+00;
	v25 =	vmul.f32 v63, v26;
	v26 =	vmovc v11;
	(erf) = vrcp.f32 v62  }
.LBB2_1:
0x37: {  	s4 =	sshra.s32 s3, $0x2;
	p0 =	sne.s32 s3, $0x1F80;
	s3 =	sadd.s32 $0x80, s3;
	v18 =	vmul.f32 v22, v18;
	v27 =	vmul.f32 v26, v11;
	v22 =	vadd.f32 v12, v12;
	v12 =	vmovc v19  }
0x38: {  	v28 =	vmul.f32 v20, v14;
	v26 =	vld [tilespmem:s4+$0x0];
	v29 =	vmul.f32 v19, v12;
	v19 =	vadd.f32 $1.000000000e+00, v25  }
0x39: {  	v24 =	vadd.f32 $1.000000000e+00, v24;
	v25 =	vld [tilespmem:s4+$0x10];
	v20 =	vmul.f32 $2.000000030e-01, v27;
	v30 =	vmul.f32 v18, v5  }
0x3a: {  	vm1 =	vgt.f32 v6, $9.210240360e+00;
	v6 =	vmovc v2;
	v2 =	vmovc v1;
	v18 =	vmul.f32 v21, v14;
	v19 =	vmul.f32 v19, v22  }
0x3b: {  	v21 =	vmul.f32 v24, v23;
	v32 =	vmul.f32 $2.000000030e-01, v29;
	v14 =	vpop (erf);
	v31 =	vadd.f32 $3.333333430e-01, v20  }
0x3c: {  	v13 =	vmul.f32 v17, v13;
	v20 =	vadd.f32 $1.000000000e+00, v14;
	v23 =	vpop (erf);
	v19 =	vadd.f32 v19, v16  }
0x3d: {  	v1 =	vmovc v4;
	v33 =	vand.u32 $0x7FFFFFFF, v26;
	v24 =	vadd.f32 $1.000000000e+00, v23;
	v26 =	vadd.f32 v21, v7;
	v7 =	vmovc v30  }
0x3e: {  	v16 =	vmul.f32 v13, v6;
	v21 =	vsub.f32 $0.0e+00, v33;
	v4 =	vand.u32 $0x7FFFFFFF, v25;
	v22 =	vpop (erf)  }
0x3f: {  	v34 =	vsel vm1, $0x3A85D40D, v19;
	v25 =	vsub.f32 $0.0e+00, v4;
	v30 =	vmul.f32 v24, v23;
	v17 =	vpop (erf)  }
0x40: {  	v13 =	vmovc v9;
	v26 =	vsel vm0, $0x3A85D40D, v26;
	v35 =	vmul.f32 $1.442695020e+00, v21;
	v21 =	vadd.f32 $2.000000000e+00, v14  }
0x41: {  	v19 =	vmul.f32 v17, v8;
	v9 =	vmul.f32 $1.442695020e+00, v25;
	v25 =	vadd.f32 $2.000000000e+00, v23;
	v8 =	vmovc v30  }
.Ltmp0:
0x42: {  	v10 =	vadd.f32 v34, v10;
	(erf) = vpow2.f32 v35;
	v30 =	vmul.f32 v21, v20;
	(pc) =	sbr.rel @p0 .LBB2_1-.Ltmp0, $4  }
0x43: {  	v15 =	vadd.f32 v26, v15;
	(erf) = vpow2.f32 v9;
	v34 =	vmul.f32 v25, v24  }
0x44: {  	v26 =	vmul.f32 v22, v28;
	v9 =	vmul.f32 v25, v23;
	v25 =	vadd.f32 $3.333333430e-01, v32  }
0x45: {  	vm0 =	vgt.f32 v5, $9.210240360e+00;
	v5 =	vmovc v0;
	v0 =	vmovc v3;
	v24 =	vmul.f32 v31, v27;
	(erf) = vrcp.f32 v30  }
0x46: {  	v3 =	vmovc v33;
	v23 =	vadd.f32 v11, v11;
	v11 =	vmovc v26;
	v25 =	vmul.f32 v25, v29;
	(erf) = vrcp.f32 v34  }
0x47: {  	_ = 	snop  }
0x48: {  	v18 =	vmul.f32 v22, v18;
	v53 =	vmul.f32 v26, v11  }
0x49: {  	v12 =	vadd.f32 v12, v12;
	v20 =	vmul.f32 v20, v14;
	v54 =	vmul.f32 v19, v19  }
0x4a: {  	v24 =	vadd.f32 $1.000000000e+00, v24;
	v55 =	vmul.f32 v21, v14;
	vm1 =	vgt.f32 v6, $9.210240360e+00  }
0x4b: {  	v13 =	vmul.f32 v17, v13;
	v35 =	vadd.f32 v11, v11;
	v38 =	vadd.f32 v19, v19;
	v56 =	vpop (erf)  }
0x4c: {  	vm10 =	vgt.f32 v5, $9.210240360e+00;
	v57 =	vadd.f32 $1.000000000e+00, v56;
	v58 =	vpop (erf);
	v28 =	vadd.f32 $2.000000000e+00, v56  }
0x4d: {  	v27 =	vmul.f32 $2.000000030e-01, v53;
	v59 =	vadd.f32 $1.000000000e+00, v58;
	v29 =	vadd.f32 $2.000000000e+00, v58  }
0x4e: {  	vm11 =	vgt.f32 v2, $9.210240360e+00;
	v18 =	vmul.f32 v18, v5;
	v60 =	vmul.f32 v28, v57  }
0x4f: {  	vm12 =	vgt.f32 v1, $9.210240360e+00;
	v61 =	vmul.f32 $2.000000030e-01, v54;
	v62 =	vmul.f32 v29, v59  }
0x50: {  	v25 =	vadd.f32 $1.000000000e+00, v25;
	v23 =	vmul.f32 v24, v23;
	(erf) = vrcp.f32 v60  }
0x51: {  	v27 =	vadd.f32 $3.333333430e-01, v27;
	v32 =	vadd.f32 $3.333333430e-01, v61;
	v63 =	vpop (erf);
	(erf) = vrcp.f32 v62  }
0x52: {  	vm13 =	vgt.f32 v0, $9.210240360e+00;
	v13 =	vmul.f32 v13, v2;
	v12 =	vmul.f32 v25, v12  }
0x53: {  	vm14 =	vgt.f32 v3, $9.210240360e+00;
	v34 =	vmul.f32 v27, v53;
	v36 =	vmul.f32 v32, v54  }
0x54: {  	v7 =	vadd.f32 v23, v7;
	v6 =	vmul.f32 v57, v56;
	v21 =	vmul.f32 v28, v56  }
0x55: {  	v12 =	vadd.f32 v12, v16;
	v24 =	vmul.f32 v59, v58;
	v30 =	vpop (erf);
	v31 =	vmul.f32 v63, v20  }
0x56: {  	v7 =	vsel vm0, $0x3A85D40D, v7;
	v33 =	vmul.f32 v29, v58;
	v8 =	vmul.f32 v30, v8  }
0x57: {  	v14 =	vmul.f32 v63, v55;
	v11 =	vadd.f32 $1.000000000e+00, v36;
	v9 =	vmul.f32 v30, v9  }
0x58: {  	v12 =	vsel vm1, $0x3A85D40D, v12;
	v37 =	vmul.f32 v31, v31;
	v39 =	vmul.f32 v8, v8  }
0x59: {  	v7 =	vadd.f32 v7, v15;
	v14 =	vmul.f32 v14, v0;
	v11 =	vmul.f32 v11, v38;
	v42 =	vpop (erf)  }
0x5a: {  	v20 =	vadd.f32 $1.000000000e+00, v34;
	v40 =	vmul.f32 $2.000000030e-01, v37;
	v41 =	vmul.f32 $2.000000030e-01, v39;
	v43 =	vpop (erf)  }
0x5b: {  	v10 =	vadd.f32 v12, v10;
	v6 =	vmul.f32 v42, v6;
	v45 =	vmul.f32 v43, v24  }
0x5c: {  	v5 =	vmul.f32 v20, v35;
	v22 =	vadd.f32 $3.333333430e-01, v40;
	v44 =	vadd.f32 $3.333333430e-01, v41  }
0x5d: {  	v12 =	vadd.f32 v31, v31;
	v47 =	vmul.f32 v6, v6;
	v48 =	vmul.f32 v45, v45  }
0x5e: {  	v8 =	vadd.f32 v8, v8;
	v15 =	vmul.f32 v22, v37;
	v46 =	vmul.f32 v44, v39  }
0x5f: {  	v11 =	vadd.f32 v11, v13;
	v49 =	vmul.f32 $2.000000030e-01, v47;
	v50 =	vmul.f32 $2.000000030e-01, v48  }
0x60: {  	v9 =	vmul.f32 v9, v1;
	v15 =	vadd.f32 $1.000000000e+00, v15;
	v13 =	vadd.f32 $1.000000000e+00, v46  }
0x61: {  	v2 =	vmul.f32 v42, v21;
	v51 =	vadd.f32 $3.333333430e-01, v49;
	v52 =	vadd.f32 $3.333333430e-01, v50  }
0x62: {  	v5 =	vadd.f32 v5, v18;
	v53 =	vmul.f32 v15, v12;
	v8 =	vmul.f32 v13, v8  }
0x63: {  	v6 =	vadd.f32 v6, v6;
	v54 =	vmul.f32 v51, v47;
	v55 =	vmul.f32 v52, v48  }
0x64: {  	v56 =	vmul.f32 v43, v33;
	v57 =	vadd.f32 v45, v45;
	v8 =	vadd.f32 v8, v9  }
0x65: {  	v11 =	vsel vm11, $0x3A85D40D, v11;
	v9 =	vadd.f32 $1.000000000e+00, v54;
	v12 =	vadd.f32 $1.000000000e+00, v55  }
0x66: {  	v2 =	vmul.f32 v2, v3;
	v58 =	vadd.f32 v53, v14;
	v59 =	vmul.f32 v56, v4  }
0x67: {  	v5 =	vsel vm10, $0x3A85D40D, v5;
	v6 =	vmul.f32 v9, v6;
	v12 =	vmul.f32 v12, v57  }
0x68: {  	v10 =	vadd.f32 v11, v10;
	v5 =	vadd.f32 v5, v7;
	v1 =	vsel vm13, $0x3A85D40D, v58  }
0x69: {  	v8 =	vsel vm12, $0x3A85D40D, v8;
	v2 =	vadd.f32 v6, v2;
	v61 =	vadd.f32 v12, v59  }
0x6a: {  	vm15 =	vgt.f32 v4, $9.210240360e+00;
	v1 =	vadd.f32 v1, v5;
	v60 =	vadd.f32 v8, v10  }
0x6b: {  	v2 =	vsel vm14, $0x3A85D40D, v2;
	v62 =	vsel vm15, $0x3A85D40D, v61  }
0x6c: {  	v1 =	vadd.f32 v2, v1;
	v0 =	vadd.f32 v62, v60;
	_ =	sdelay $0x1  }
0x6d: {  	v0 =	vadd.f32 v0, v1;
	_ =	sdelay $0x1  }
0x6e: {  	(xrf2) =	vadd.scan.msk.f32 $0xffff, v0;
	_ =	sdelay $0x9  }
0x6f: {  	v0, _, _ =	vpop (xrf2)  }
0x70: {  	(v2sf) =	vpush v0, $0xF;
	_ =	sdelay $0xe  }
0x71: {  	s3 =	spop (v2sf)  }
0x72: {  	s3 =	smul.f32 $-3.051757960e-08, s3;
	_ =	sdelay $0x1  }
0x73: {  	s4 =	sshll.u32 s1, $0x4;
	s29 =	simm.s32 $0x0;
	v63 =	vmov s3  }
0x74: {  	s30 =	simm.s32 $0x800;
	s31 =	simm.s32 $0x1;
	s2 =	sadd.s32 s2, s4;
	[tilespmem:$0x800] =	vst v63  }
0x75: {  	[hbm4b:s2+s29] =	stream.linear.scatter [tilespmem:s30], [sflag:$0x1], $0x80, $0x38;
	[tilespmem:$0x880] =	vst v63  }
0x76: {  	_ =	swait.ge [sflag:s31], $0x80  }
0x77: {  	[sflag:s31] =	ssyncset.done $0x0  }
0x78: {  	[sflag:s31] =	ssyncadd.s32 $0xFFFFFF80  }
0x79: {  	_ =	sfence.sel $0x180000  }
0x7a: {  	[bflag:$0x0] =	sbarrier.arrive $0xFFFF  }
0x7b: {  	p0 =	sne.s32 s1, $0x0;
	_ =	strace $0x90000047  }
0x7c: {  	s0 =	sadd.s32 @!p0 $0x100000, s0;
	[bflag:$0x2] =	sbarrier.arrive $0xFFFF  }
0x7d: {  	[sflag:s0] =	ssyncadd.tile.s32 @!p0 $0x1;
	_ =	shalt  }
.Lfunc_end2:
_tile_overlayer_lowered:
.L_overlay_start_2:
0x7e: {  	(tag) =	ssettag $0x2  }
0x7f: {  	s0 =	rddreg [dreg:$0x0];
	s2 =	stileid.u32  }
0x80: {  	s1 =	rddreg [dreg:$0x1];
	p0 =	sne.s32 s2, $0x0  }
0x81: {  	s3 =	rddreg [dreg:$0x2];
	[bflag:$0x3] =	sbarrier.arrive $0xFFFF;
	s2 =	simm.s32 @!p0 $0x1C01  }
0x82: {  	[timem:s3], [sflag:s2] =	dma.local @!p0 [hbm:s0], s1  }
0x83: {  	s0 =	simm.s32 @!p0 $0x1  }
0x84: {  	_ =	swait.ge @!p0 [sflag:s0], s1  }
0x85: {  	s1 =	ssub.s32 @!p0 $0x0, s1;
	[sflag:s0] =	ssyncset.done @!p0 $0x0  }
0x86: {  	[sflag:s0] =	ssyncadd.s32 @!p0 s1  }
0x87: {  	[bflag:$0x3] =	sbarrier.arrive $0xFFFF  }
0x88: {  	_ =	shalt  }

</sc_bundles>
